<compile_context>
chip_gen: v7x
topology: tpu7x:2x2x1
jax: 0.10.2.dev20260603
libtpu: 0.0.44.dev20260713+nightly
codegen_flags: <defaults>
</compile_context>

<pallas_src>
import functools

import jax
import jax.numpy as jnp
from jax import lax
from jax.experimental import pallas as pl
from jax.experimental.pallas import tpu as pltpu
from jax.experimental.pallas import tpu_sc as plsc

_NUM_SEG = 512
_NC = 1
_NS = 16
_NW = _NC * _NS
_LANES = 16
_HALF = 528
_TAB_W = 2 * _HALF


def _sc_bounds_body(n, chunk, idx_hbm, out_hbm, idx_v, tab_v, sem):
    wid = lax.axis_index("s") * _NC + lax.axis_index("c")
    base = wid * chunk
    last_len = n - (_NW - 1) * chunk
    is_tail = wid == _NW - 1

    @pl.when(wid == 0)
    def _():
        idx_v[pl.ds(0, _LANES)] = jnp.full((_LANES,), -1, jnp.int32)
        pltpu.async_copy(
            idx_hbm.at[pl.ds(0, chunk + _LANES)],
            idx_v.at[pl.ds(_LANES, chunk + _LANES)],
            sem,
        )

    @pl.when(jnp.logical_and(wid > 0, jnp.logical_not(is_tail)))
    def _():
        pltpu.async_copy(
            idx_hbm.at[pl.ds(base - _LANES, chunk + 2 * _LANES)],
            idx_v.at[pl.ds(0, chunk + 2 * _LANES)],
            sem,
        )

    @pl.when(is_tail)
    def _():
        pltpu.async_copy(
            idx_hbm.at[pl.ds(base - _LANES, last_len + _LANES)],
            idx_v.at[pl.ds(0, last_len + _LANES)],
            sem,
        )

    zeros = jnp.zeros((_LANES,), jnp.int32)

    @plsc.parallel_loop(0, _TAB_W // _LANES, 1, unroll=4)
    def _(i):
        tab_v[pl.ds(i * _LANES, _LANES)] = zeros

    @pl.when(wid == 0)
    def _():
        pltpu.make_async_copy(
            idx_hbm.at[pl.ds(0, chunk + _LANES)],
            idx_v.at[pl.ds(_LANES, chunk + _LANES)],
            sem,
        ).wait()

    @pl.when(jnp.logical_and(wid > 0, jnp.logical_not(is_tail)))
    def _():
        pltpu.make_async_copy(
            idx_hbm.at[pl.ds(base - _LANES, chunk + 2 * _LANES)],
            idx_v.at[pl.ds(0, chunk + 2 * _LANES)],
            sem,
        ).wait()

    @pl.when(is_tail)
    def _():
        pltpu.make_async_copy(
            idx_hbm.at[pl.ds(base - _LANES, last_len + _LANES)],
            idx_v.at[pl.ds(0, last_len + _LANES)],
            sem,
        ).wait()
        fill = jnp.full((_LANES,), _NUM_SEG, jnp.int32)

        @plsc.parallel_loop(0, (chunk - last_len) // _LANES + 1, 1, unroll=4)
        def _(j):
            idx_v[pl.ds(_LANES + last_len + j * _LANES, _LANES)] = fill

    lane = lax.iota(jnp.int32, _LANES)
    half = jnp.full((_LANES,), _HALF, jnp.int32)

    @plsc.parallel_loop(0, chunk // _LANES, 1, unroll=4)
    def _(i):
        v = idx_v[pl.ds(_LANES + i * _LANES, _LANES)]
        p = idx_v[pl.ds(_LANES - 1 + i * _LANES, _LANES)]
        q = idx_v[pl.ds(_LANES + 1 + i * _LANES, _LANES)]
        pos = (base + i * _LANES) + lane
        plsc.store_scatter(tab_v, [v], pos, mask=v != p)
        plsc.store_scatter(tab_v, [v + half], pos + 1, mask=v != q)
    pltpu.sync_copy(tab_v, out_hbm.at[wid])


@functools.lru_cache(maxsize=None)
def _make_sc_bounds(n):
    chunk = -(-n // _NW)
    chunk += (-chunk) % _LANES
    mesh = plsc.VectorSubcoreMesh(
        core_axis_name="c", subcore_axis_name="s", num_cores=_NC
    )
    return pl.kernel(
        functools.partial(_sc_bounds_body, n, chunk),
        mesh=mesh,
        out_type=jax.ShapeDtypeStruct((_NW, _TAB_W), jnp.int32),
        scratch_types=[
            pltpu.VMEM((chunk + 2 * _LANES,), jnp.int32),
            pltpu.VMEM((_TAB_W,), jnp.int32),
            pltpu.SemaphoreType.DMA,
        ],
        compiler_params=pltpu.CompilerParams(needs_layout_passes=False),
    )


def _tc_mlp_body(parts_ref, w1_ref, b1_ref, w2_ref, b2_ref, out_ref):
    tab = jnp.sum(parts_ref[...], axis=0)
    counts = (tab[_HALF : _HALF + _NUM_SEG] - tab[:_NUM_SEG]).astype(
        jnp.float32
    )
    inv = (1.0 / counts).reshape(_NUM_SEG, 1)
    h = jnp.maximum(inv * w1_ref[...] + b1_ref[...], 0.0)
    out_ref[...] = (
        jnp.dot(h, w2_ref[...], preferred_element_type=jnp.float32)
        + b2_ref[...]
    )


def kernel(x, batch_index, W1, b1, W2, b2):
    del x
    idx = batch_index.astype(jnp.int32)
    n = idx.shape[0]
    if n % _LANES != 0:
        pad = (-n) % _LANES
        idx = jnp.concatenate([idx, jnp.full((pad,), _NUM_SEG, jnp.int32)])
        n += pad
    parts = _make_sc_bounds(n)(idx)
    out = pl.pallas_call(
        _tc_mlp_body,
        out_shape=jax.ShapeDtypeStruct((_NUM_SEG, 128), jnp.float32),
    )(parts, W1, b1.reshape(1, 128), W2, b2.reshape(1, 128))
    return out

# --- scband reference (transcript-rebuilt; emitter-appended) ---
"""Pipeline reference for scband-num-atom-12171937317232 (READ-ONLY COPY).

The authoritative reference and input builder live on the scoring server;
editing this copy changes nothing except your own understanding.
"""

import jax, jax.numpy as jnp
import numpy as np

NUM_SEGMENTS = 512

def setup_inputs(seed: int = 0) -> dict:
    key = jax.random.key(seed)
    k1, k2, k3, k4, k5, k6 = jax.random.split(key, 6)
    x = jax.random.normal(k1, (100000, 128), dtype=jnp.float32)
    batch_index = jnp.sort(jax.random.randint(k2, (100000,), 0, NUM_SEGMENTS, dtype=jnp.int64))
    # MLP params for build_module_list([1, 128, 128]): Linear(1,128), ReLU, Linear(128,128)
    W1 = jax.random.normal(k3, (1, 128), dtype=jnp.float32) * (1.0 / np.sqrt(1.0))
    b1 = jax.random.normal(k4, (128,), dtype=jnp.float32) * 0.01
    W2 = jax.random.normal(k5, (128, 128), dtype=jnp.float32) * (1.0 / np.sqrt(128.0))
    b2 = jax.random.normal(k6, (128,), dtype=jnp.float32) * 0.01
    return {"x": x, "batch_index": batch_index, "W1": W1, "b1": b1, "W2": W2, "b2": b2}

def reference(x, batch_index, W1, b1, W2, b2):
    # x is replaced by ones of shape [N, 1] (only its row-count matters)
    ones = jnp.ones((x.shape[0], 1), dtype=jnp.float32)
    # global_add_pool -> segment sum over batch_index => per-graph node counts
    pooled = jax.ops.segment_sum(ones, batch_index, num_segments=NUM_SEGMENTS)
    inv = 1.0 / pooled
    # MLP: Linear(1,128) -> ReLU -> Linear(128,128)
    h = jnp.maximum(inv @ W1 + b1, 0.0)
    out = h @ W2 + b2
    return out

if __name__ == "__main__":
    import jax
    _d = setup_inputs()
    print(jax.jit(kernel)(*tuple(_d.values())))

</pallas_src>

<mosaic_0001>
#map = affine_map<(d0, d1) -> (0)>
#map1 = affine_map<(d0, d1) -> (0, 0)>
module attributes {stable_mosaic.version = 14 : i64} {
  func.func @_sc_bounds_body(%arg0: i32, %arg1: i32, %arg2: memref<100000xi32, #tpu.memory_space<hbm>>, %arg3: memref<16x1056xi32, #tpu.memory_space<hbm>>, %arg4: memref<6288xi32, #tpu.memory_space<vmem>>, %arg5: memref<1056xi32, #tpu.memory_space<vmem>>, %arg6: memref<!tpu.dma_semaphore, #tpu.memory_space<semaphore_mem>>) attributes {dimension_semantics = [#tpu.dimension_semantics<core_parallel>, #tpu.dimension_semantics<subcore_parallel>], iteration_bounds = array<i64: 1, 16>, scalar_prefetch = 0 : i64, scratch_operands = 3 : i64, tpu.core_type = #tpu.core_type<sc_vector_subcore>, window_params = [{transform_indices = #map}, {transform_indices = #map1}]} {
    %mul3A = arith.constant 1 : i32
    %mul3A_0 = arith.muli %arg1, %mul3A : i32
    %add3A = arith.addi %mul3A_0, %arg0 : i32
    %mul3A_1 = arith.constant 6256 : i32
    %mul3A_2 = arith.muli %add3A, %mul3A_1 : i32
    %eq3A = arith.constant 15 : i32
    %eq3A_3 = arith.cmpi eq, %add3A, %eq3A : i32
    %eq3A_4 = arith.constant 0 : i32
    %eq3A_5 = arith.cmpi eq, %add3A, %eq3A_4 : i32
    %convert_element_type3A = arith.extui %eq3A_5 : i1 to i32
    %cond3A = arith.constant 0 : i32
    %cond3A_6 = arith.cmpi ne, %convert_element_type3A, %cond3A : i32
    scf.if %cond3A_6 {
      %broadcast_in_dim3A_39 = arith.constant -1 : i32
      %broadcast_in_dim3A_40 = vector.broadcast %broadcast_in_dim3A_39 : i32 to vector<16xi32>
      %swap3A = arith.constant 0 : index
      %swap3A_41 = tpu.vector_load %arg4[%swap3A] {strides = array<i32>} : memref<6288xi32, #tpu.memory_space<vmem>>, vector<16xi32>,
      tpu.vector_store %arg4[%swap3A], %broadcast_in_dim3A_40 {strides = array<i32>} : memref<6288xi32, #tpu.memory_space<vmem>>, vector<16xi32>,
      %dma_start3A = arith.constant 16 : i32
      %dma_start3A_42 = tpu.memref_slice %arg4[%dma_start3A] : memref<6288xi32, #tpu.memory_space<vmem>> -> memref<6272xi32, #tpu.memory_space<vmem>>
      %dma_start3A_43 = arith.constant 0 : i32
      %dma_start3A_44 = tpu.memref_slice %arg2[%dma_start3A_43] : memref<100000xi32, #tpu.memory_space<hbm>> -> memref<6272xi32, #tpu.memory_space<hbm>>
      %dma_start3A_45 = arith.constant 16 : i32
      %dma_start3A_46 = tpu.memref_slice %arg4[%dma_start3A_45] : memref<6288xi32, #tpu.memory_space<vmem>> -> memref<6272xi32, #tpu.memory_space<vmem>>
      %dma_start3A_47 = arith.constant 0 : i32
      %dma_start3A_48 = tpu.memref_slice %arg2[%dma_start3A_47] : memref<100000xi32, #tpu.memory_space<hbm>> -> memref<6272xi32, #tpu.memory_space<hbm>>
      tpu.enqueue_dma source(%dma_start3A_48 : memref<6272xi32, #tpu.memory_space<hbm>>) target(%dma_start3A_46 : memref<6272xi32, #tpu.memory_space<vmem>>) target_semaphore(%arg6 : memref<!tpu.dma_semaphore, #tpu.memory_space<semaphore_mem>>)
    } else {
    }
    %gt3A = arith.constant 0 : i32
    %gt3A_7 = arith.cmpi sgt, %add3A, %gt3A : i32
    %not3A = arith.constant true
    %not3A_8 = arith.xori %eq3A_3, %not3A : i1
    %and3A = arith.andi %gt3A_7, %not3A_8 : i1
    %convert_element_type3A_9 = arith.extui %and3A : i1 to i32
    %cond3A_10 = arith.constant 0 : i32
    %cond3A_11 = arith.cmpi ne, %convert_element_type3A_9, %cond3A_10 : i32
    scf.if %cond3A_11 {
      %sub3A = arith.constant 16 : i32
      %sub3A_39 = arith.subi %mul3A_2, %sub3A : i32
      %dma_start3A = arith.constant 0 : i32
      %dma_start3A_40 = tpu.memref_slice %arg4[%dma_start3A] : memref<6288xi32, #tpu.memory_space<vmem>> -> memref<6288xi32, #tpu.memory_space<vmem>>
      %dma_start3A_41 = tpu.memref_slice %arg2[%sub3A_39] : memref<100000xi32, #tpu.memory_space<hbm>> -> memref<6288xi32, #tpu.memory_space<hbm>>
      %dma_start3A_42 = arith.constant 0 : i32
      %dma_start3A_43 = tpu.memref_slice %arg4[%dma_start3A_42] : memref<6288xi32, #tpu.memory_space<vmem>> -> memref<6288xi32, #tpu.memory_space<vmem>>
      %dma_start3A_44 = tpu.memref_slice %arg2[%sub3A_39] : memref<100000xi32, #tpu.memory_space<hbm>> -> memref<6288xi32, #tpu.memory_space<hbm>>
      tpu.enqueue_dma source(%dma_start3A_44 : memref<6288xi32, #tpu.memory_space<hbm>>) target(%dma_start3A_43 : memref<6288xi32, #tpu.memory_space<vmem>>) target_semaphore(%arg6 : memref<!tpu.dma_semaphore, #tpu.memory_space<semaphore_mem>>)
    } else {
    }
    %convert_element_type3A_12 = arith.extui %eq3A_3 : i1 to i32
    %cond3A_13 = arith.constant 0 : i32
    %cond3A_14 = arith.cmpi ne, %convert_element_type3A_12, %cond3A_13 : i32
    scf.if %cond3A_14 {
      %sub3A = arith.constant 16 : i32
      %sub3A_39 = arith.subi %mul3A_2, %sub3A : i32
      %dma_start3A = arith.constant 0 : i32
      %dma_start3A_40 = tpu.memref_slice %arg4[%dma_start3A] : memref<6288xi32, #tpu.memory_space<vmem>> -> memref<6176xi32, #tpu.memory_space<vmem>>
      %dma_start3A_41 = tpu.memref_slice %arg2[%sub3A_39] : memref<100000xi32, #tpu.memory_space<hbm>> -> memref<6176xi32, #tpu.memory_space<hbm>>
      %dma_start3A_42 = arith.constant 0 : i32
      %dma_start3A_43 = tpu.memref_slice %arg4[%dma_start3A_42] : memref<6288xi32, #tpu.memory_space<vmem>> -> memref<6176xi32, #tpu.memory_space<vmem>>
      %dma_start3A_44 = tpu.memref_slice %arg2[%sub3A_39] : memref<100000xi32, #tpu.memory_space<hbm>> -> memref<6176xi32, #tpu.memory_space<hbm>>
      tpu.enqueue_dma source(%dma_start3A_44 : memref<6176xi32, #tpu.memory_space<hbm>>) target(%dma_start3A_43 : memref<6176xi32, #tpu.memory_space<vmem>>) target_semaphore(%arg6 : memref<!tpu.dma_semaphore, #tpu.memory_space<semaphore_mem>>)
    } else {
    }
    %broadcast_in_dim3A = arith.constant 0 : i32
    %broadcast_in_dim3A_15 = vector.broadcast %broadcast_in_dim3A : i32 to vector<16xi32>
    %parallel_loop3A = arith.constant 0 : i32
    %parallel_loop3A_16 = arith.constant 66 : i32
    %parallel_loop3A_17 = arith.constant 1 : i32
    scf.for %parallel_loop3A_39 = %parallel_loop3A to %parallel_loop3A_16 step %parallel_loop3A_17  : i32 {
      %parallel_loop3A_40 = arith.constant 16 : i32
      %parallel_loop3A_41 = arith.muli %parallel_loop3A_39, %parallel_loop3A_40 : i32
      %parallel_loop3A_42 = arith.index_cast %parallel_loop3A_41 : i32 to index
      %parallel_loop3A_43 = tpu.vector_load %arg5[%parallel_loop3A_42] {strides = array<i32>} : memref<1056xi32, #tpu.memory_space<vmem>>, vector<16xi32>,
      tpu.vector_store %arg5[%parallel_loop3A_42], %broadcast_in_dim3A_15 {strides = array<i32>} : memref<1056xi32, #tpu.memory_space<vmem>>, vector<16xi32>,
    } {sc.loop_unroll_factor = 4 : i64, sc.parallel_access}
    %eq3A_18 = arith.constant 0 : i32
    %eq3A_19 = arith.cmpi eq, %add3A, %eq3A_18 : i32
    %convert_element_type3A_20 = arith.extui %eq3A_19 : i1 to i32
    %cond3A_21 = arith.constant 0 : i32
    %cond3A_22 = arith.cmpi ne, %convert_element_type3A_20, %cond3A_21 : i32
    scf.if %cond3A_22 {
      %dma_wait3A = arith.constant 16 : i32
      %dma_wait3A_39 = tpu.memref_slice %arg4[%dma_wait3A] : memref<6288xi32, #tpu.memory_space<vmem>> -> memref<6272xi32, #tpu.memory_space<vmem>>
      %dma_wait3A_40 = arith.constant 0 : i32
      %dma_wait3A_41 = tpu.memref_slice %arg2[%dma_wait3A_40] : memref<100000xi32, #tpu.memory_space<hbm>> -> memref<6272xi32, #tpu.memory_space<hbm>>
      %dma_wait3A_42 = arith.constant 16 : i32
      %dma_wait3A_43 = tpu.memref_slice %arg4[%dma_wait3A_42] : memref<6288xi32, #tpu.memory_space<vmem>> -> memref<6272xi32, #tpu.memory_space<vmem>>
      %dma_wait3A_44 = arith.constant 0 : i32
      %dma_wait3A_45 = tpu.memref_slice %arg2[%dma_wait3A_44] : memref<100000xi32, #tpu.memory_space<hbm>> -> memref<6272xi32, #tpu.memory_space<hbm>>
      tpu.wait_dma2 semaphore(%arg6 : memref<!tpu.dma_semaphore, #tpu.memory_space<semaphore_mem>>) src(%dma_wait3A_45 : memref<6272xi32, #tpu.memory_space<hbm>>) dst(%dma_wait3A_43 : memref<6272xi32, #tpu.memory_space<vmem>>)
    } else {
    }
    %gt3A_23 = arith.constant 0 : i32
    %gt3A_24 = arith.cmpi sgt, %add3A, %gt3A_23 : i32
    %not3A_25 = arith.constant true
    %not3A_26 = arith.xori %eq3A_3, %not3A_25 : i1
    %and3A_27 = arith.andi %gt3A_24, %not3A_26 : i1
    %convert_element_type3A_28 = arith.extui %and3A_27 : i1 to i32
    %cond3A_29 = arith.constant 0 : i32
    %cond3A_30 = arith.cmpi ne, %convert_element_type3A_28, %cond3A_29 : i32
    scf.if %cond3A_30 {
      %sub3A = arith.constant 16 : i32
      %sub3A_39 = arith.subi %mul3A_2, %sub3A : i32
      %dma_wait3A = arith.constant 0 : i32
      %dma_wait3A_40 = tpu.memref_slice %arg4[%dma_wait3A] : memref<6288xi32, #tpu.memory_space<vmem>> -> memref<6288xi32, #tpu.memory_space<vmem>>
      %dma_wait3A_41 = tpu.memref_slice %arg2[%sub3A_39] : memref<100000xi32, #tpu.memory_space<hbm>> -> memref<6288xi32, #tpu.memory_space<hbm>>
      %dma_wait3A_42 = arith.constant 0 : i32
      %dma_wait3A_43 = tpu.memref_slice %arg4[%dma_wait3A_42] : memref<6288xi32, #tpu.memory_space<vmem>> -> memref<6288xi32, #tpu.memory_space<vmem>>
      %dma_wait3A_44 = tpu.memref_slice %arg2[%sub3A_39] : memref<100000xi32, #tpu.memory_space<hbm>> -> memref<6288xi32, #tpu.memory_space<hbm>>
      tpu.wait_dma2 semaphore(%arg6 : memref<!tpu.dma_semaphore, #tpu.memory_space<semaphore_mem>>) src(%dma_wait3A_44 : memref<6288xi32, #tpu.memory_space<hbm>>) dst(%dma_wait3A_43 : memref<6288xi32, #tpu.memory_space<vmem>>)
    } else {
    }
    %convert_element_type3A_31 = arith.extui %eq3A_3 : i1 to i32
    %cond3A_32 = arith.constant 0 : i32
    %cond3A_33 = arith.cmpi ne, %convert_element_type3A_31, %cond3A_32 : i32
    scf.if %cond3A_33 {
      %sub3A = arith.constant 16 : i32
      %sub3A_39 = arith.subi %mul3A_2, %sub3A : i32
      %dma_wait3A = arith.constant 0 : i32
      %dma_wait3A_40 = tpu.memref_slice %arg4[%dma_wait3A] : memref<6288xi32, #tpu.memory_space<vmem>> -> memref<6176xi32, #tpu.memory_space<vmem>>
      %dma_wait3A_41 = tpu.memref_slice %arg2[%sub3A_39] : memref<100000xi32, #tpu.memory_space<hbm>> -> memref<6176xi32, #tpu.memory_space<hbm>>
      %dma_wait3A_42 = arith.constant 0 : i32
      %dma_wait3A_43 = tpu.memref_slice %arg4[%dma_wait3A_42] : memref<6288xi32, #tpu.memory_space<vmem>> -> memref<6176xi32, #tpu.memory_space<vmem>>
      %dma_wait3A_44 = tpu.memref_slice %arg2[%sub3A_39] : memref<100000xi32, #tpu.memory_space<hbm>> -> memref<6176xi32, #tpu.memory_space<hbm>>
      tpu.wait_dma2 semaphore(%arg6 : memref<!tpu.dma_semaphore, #tpu.memory_space<semaphore_mem>>) src(%dma_wait3A_44 : memref<6176xi32, #tpu.memory_space<hbm>>) dst(%dma_wait3A_43 : memref<6176xi32, #tpu.memory_space<vmem>>)
      %broadcast_in_dim3A_45 = arith.constant 512 : i32
      %broadcast_in_dim3A_46 = vector.broadcast %broadcast_in_dim3A_45 : i32 to vector<16xi32>
      %parallel_loop3A_47 = arith.constant 0 : i32
      %parallel_loop3A_48 = arith.constant 7 : i32
      %parallel_loop3A_49 = arith.constant 1 : i32
      scf.for %parallel_loop3A_50 = %parallel_loop3A_47 to %parallel_loop3A_48 step %parallel_loop3A_49  : i32 {
        %parallel_loop3A_51 = arith.constant 16 : i32
        %parallel_loop3A_52 = arith.muli %parallel_loop3A_50, %parallel_loop3A_51 : i32
        %parallel_loop3A_53 = arith.constant 6176 : i32
        %parallel_loop3A_54 = arith.addi %parallel_loop3A_53, %parallel_loop3A_52 : i32
        %parallel_loop3A_55 = arith.index_cast %parallel_loop3A_54 : i32 to index
        %parallel_loop3A_56 = tpu.vector_load %arg4[%parallel_loop3A_55] {strides = array<i32>} : memref<6288xi32, #tpu.memory_space<vmem>>, vector<16xi32>,
        tpu.vector_store %arg4[%parallel_loop3A_55], %broadcast_in_dim3A_46 {strides = array<i32>} : memref<6288xi32, #tpu.memory_space<vmem>>, vector<16xi32>,
      } {sc.loop_unroll_factor = 4 : i64, sc.parallel_access}
    } else {
    }
    %iota3A = tpu.iota {dimensions = array<i32: 0>} : vector<16xi32>
    %broadcast_in_dim3A_34 = arith.constant 528 : i32
    %broadcast_in_dim3A_35 = vector.broadcast %broadcast_in_dim3A_34 : i32 to vector<16xi32>
    %parallel_loop3A_36 = arith.constant 0 : i32
    %parallel_loop3A_37 = arith.constant 391 : i32
    %parallel_loop3A_38 = arith.constant 1 : i32
    scf.for %parallel_loop3A_39 = %parallel_loop3A_36 to %parallel_loop3A_37 step %parallel_loop3A_38  : i32 {
      %parallel_loop3A_40 = arith.constant 16 : i32
      %parallel_loop3A_41 = arith.muli %parallel_loop3A_39, %parallel_loop3A_40 : i32
      %parallel_loop3A_42 = arith.constant 16 : i32
      %parallel_loop3A_43 = arith.addi %parallel_loop3A_42, %parallel_loop3A_41 : i32
      %parallel_loop3A_44 = arith.index_cast %parallel_loop3A_43 : i32 to index
      %parallel_loop3A_45 = tpu.vector_load %arg4[%parallel_loop3A_44] {strides = array<i32>} : memref<6288xi32, #tpu.memory_space<vmem>>, vector<16xi32>,
      %parallel_loop3A_46 = arith.constant 16 : i32
      %parallel_loop3A_47 = arith.muli %parallel_loop3A_39, %parallel_loop3A_46 : i32
      %parallel_loop3A_48 = arith.constant 15 : i32
      %parallel_loop3A_49 = arith.addi %parallel_loop3A_48, %parallel_loop3A_47 : i32
      %parallel_loop3A_50 = arith.index_cast %parallel_loop3A_49 : i32 to index
      %parallel_loop3A_51 = tpu.vector_load %arg4[%parallel_loop3A_50] {strides = array<i32>} : memref<6288xi32, #tpu.memory_space<vmem>>, vector<16xi32>,
      %parallel_loop3A_52 = arith.constant 16 : i32
      %parallel_loop3A_53 = arith.muli %parallel_loop3A_39, %parallel_loop3A_52 : i32
      %parallel_loop3A_54 = arith.constant 17 : i32
      %parallel_loop3A_55 = arith.addi %parallel_loop3A_54, %parallel_loop3A_53 : i32
      %parallel_loop3A_56 = arith.index_cast %parallel_loop3A_55 : i32 to index
      %parallel_loop3A_57 = tpu.vector_load %arg4[%parallel_loop3A_56] {strides = array<i32>} : memref<6288xi32, #tpu.memory_space<vmem>>, vector<16xi32>,
      %parallel_loop3A_58 = arith.constant 16 : i32
      %parallel_loop3A_59 = arith.muli %parallel_loop3A_39, %parallel_loop3A_58 : i32
      %parallel_loop3A_60 = arith.addi %mul3A_2, %parallel_loop3A_59 : i32
      %parallel_loop3A_61 = vector.broadcast %parallel_loop3A_60 : i32 to vector<16xi32>
      %parallel_loop3A_62 = arith.addi %parallel_loop3A_61, %iota3A : vector<16xi32>
      %parallel_loop3A_63 = arith.cmpi ne, %parallel_loop3A_45, %parallel_loop3A_51 : vector<16xi32>
      tpu.vector_store_idx %arg5[%parallel_loop3A_45], %parallel_loop3A_62 masked %parallel_loop3A_63 : memref<1056xi32, #tpu.memory_space<vmem>>[vector<16xi32>], vector<16xi32>, vector<16xi1>
      %parallel_loop3A_64 = arith.addi %parallel_loop3A_45, %broadcast_in_dim3A_35 : vector<16xi32>
      %parallel_loop3A_65 = arith.constant 1 : i32
      %parallel_loop3A_66 = vector.broadcast %parallel_loop3A_65 : i32 to vector<16xi32>
      %parallel_loop3A_67 = arith.addi %parallel_loop3A_62, %parallel_loop3A_66 : vector<16xi32>
      %parallel_loop3A_68 = arith.cmpi ne, %parallel_loop3A_45, %parallel_loop3A_57 : vector<16xi32>
      tpu.vector_store_idx %arg5[%parallel_loop3A_64], %parallel_loop3A_67 masked %parallel_loop3A_68 : memref<1056xi32, #tpu.memory_space<vmem>>[vector<16xi32>], vector<16xi32>, vector<16xi1>
    } {sc.loop_unroll_factor = 4 : i64, sc.parallel_access}
    "tpu.region"() ({
      %run_scoped3A = tpu.sem_alloc : memref<!tpu.dma_semaphore, #tpu.memory_space<semaphore_mem>>
      %dma_start3A = arith.constant 0 : i32
      %dma_start3A_39 = tpu.memref_slice %arg3[%add3A, %dma_start3A] : memref<16x1056xi32, #tpu.memory_space<hbm>> -> memref<1x1056xi32, #tpu.memory_space<hbm>>
      %dma_start3A_40 = tpu.memref_squeeze %dma_start3A_39 : memref<1x1056xi32, #tpu.memory_space<hbm>> -> memref<1056xi32, #tpu.memory_space<hbm>>
      %dma_start3A_41 = arith.constant 0 : i32
      %dma_start3A_42 = tpu.memref_slice %arg3[%add3A, %dma_start3A_41] : memref<16x1056xi32, #tpu.memory_space<hbm>> -> memref<1x1056xi32, #tpu.memory_space<hbm>>
      %dma_start3A_43 = tpu.memref_squeeze %dma_start3A_42 : memref<1x1056xi32, #tpu.memory_space<hbm>> -> memref<1056xi32, #tpu.memory_space<hbm>>
      tpu.enqueue_dma source(%arg5 : memref<1056xi32, #tpu.memory_space<vmem>>) target(%dma_start3A_43 : memref<1056xi32, #tpu.memory_space<hbm>>) target_semaphore(%run_scoped3A : memref<!tpu.dma_semaphore, #tpu.memory_space<semaphore_mem>>)
      %dma_wait3A = arith.constant 0 : i32
      %dma_wait3A_44 = tpu.memref_slice %arg3[%add3A, %dma_wait3A] : memref<16x1056xi32, #tpu.memory_space<hbm>> -> memref<1x1056xi32, #tpu.memory_space<hbm>>
      %dma_wait3A_45 = tpu.memref_squeeze %dma_wait3A_44 : memref<1x1056xi32, #tpu.memory_space<hbm>> -> memref<1056xi32, #tpu.memory_space<hbm>>
      %dma_wait3A_46 = arith.constant 0 : i32
      %dma_wait3A_47 = tpu.memref_slice %arg3[%add3A, %dma_wait3A_46] : memref<16x1056xi32, #tpu.memory_space<hbm>> -> memref<1x1056xi32, #tpu.memory_space<hbm>>
      %dma_wait3A_48 = tpu.memref_squeeze %dma_wait3A_47 : memref<1x1056xi32, #tpu.memory_space<hbm>> -> memref<1056xi32, #tpu.memory_space<hbm>>
      tpu.wait_dma2 semaphore(%run_scoped3A : memref<!tpu.dma_semaphore, #tpu.memory_space<semaphore_mem>>) src(%arg5 : memref<1056xi32, #tpu.memory_space<vmem>>) dst(%dma_wait3A_48 : memref<1056xi32, #tpu.memory_space<hbm>>)
      tpu.yield
    }) : () -> ()
    return
  }
}

module attributes {stable_mosaic.version = 14 : i64} {
  func.func @_tc_mlp_body(%arg0: memref<16x1056xi32, #tpu.memory_space<vmem>>, %arg1: memref<1x128xf32, #tpu.memory_space<vmem>>, %arg2: memref<1x128xf32, #tpu.memory_space<vmem>>, %arg3: memref<128x128xf32, #tpu.memory_space<vmem>>, %arg4: memref<1x128xf32, #tpu.memory_space<vmem>>, %arg5: memref<512x128xf32, #tpu.memory_space<vmem>>) attributes {dimension_semantics = [], scalar_prefetch = 0 : i64, scratch_operands = 0 : i64, tpu.core_type = #tpu.core_type<tc>} {
    %get3A = arith.constant 0 : index
    %get3A_0 = arith.constant 0 : index
    %get3A_1 = vector.load %arg0[%get3A, %get3A_0] : memref<16x1056xi32, #tpu.memory_space<vmem>>, vector<16x1056xi32>
    %reduce_sum3A = arith.constant dense<0> : vector<1056xi32>
    %reduce_sum3A_2 = vector.multi_reduction <add>, %get3A_1, %reduce_sum3A [0] : vector<16x1056xi32> to vector<1056xi32>
    %slice3A = vector.extract_strided_slice %reduce_sum3A_2 {offsets = [528], sizes = [512], strides = [1]} : vector<1056xi32> to vector<512xi32>
    %slice3A_3 = vector.extract_strided_slice %reduce_sum3A_2 {offsets = [0], sizes = [512], strides = [1]} : vector<1056xi32> to vector<512xi32>
    %sub3A = arith.subi %slice3A, %slice3A_3 : vector<512xi32>
    %convert_element_type3A = arith.sitofp %sub3A : vector<512xi32> to vector<512xf32>
    %div3A = arith.constant 1.000000e+00 : f32
    %div3A_4 = vector.broadcast %div3A : f32 to vector<512xf32>
    %div3A_5 = arith.divf %div3A_4, %convert_element_type3A : vector<512xf32>
    %reshape3A = vector.shape_cast %div3A_5 : vector<512xf32> to vector<512x1xf32>
    %get3A_6 = arith.constant 0 : index
    %get3A_7 = arith.constant 0 : index
    %get3A_8 = vector.load %arg1[%get3A_6, %get3A_7] : memref<1x128xf32, #tpu.memory_space<vmem>>, vector<1x128xf32>
    %mul3A = vector.broadcast %reshape3A : vector<512x1xf32> to vector<512x128xf32>
    %mul3A_9 = vector.broadcast %get3A_8 : vector<1x128xf32> to vector<512x128xf32>
    %mul3A_10 = arith.mulf %mul3A, %mul3A_9 : vector<512x128xf32>
    %get3A_11 = arith.constant 0 : index
    %get3A_12 = arith.constant 0 : index
    %get3A_13 = vector.load %arg2[%get3A_11, %get3A_12] : memref<1x128xf32, #tpu.memory_space<vmem>>, vector<1x128xf32>
    %add3A = vector.broadcast %get3A_13 : vector<1x128xf32> to vector<512x128xf32>
    %add3A_14 = arith.addf %mul3A_10, %add3A : vector<512x128xf32>
    %max3A = arith.constant 0.000000e+00 : f32
    %max3A_15 = vector.broadcast %max3A : f32 to vector<512x128xf32>
    %max3A_16 = arith.maximumf %add3A_14, %max3A_15 : vector<512x128xf32>
    %get3A_17 = arith.constant 0 : index
    %get3A_18 = arith.constant 0 : index
    %get3A_19 = vector.load %arg3[%get3A_17, %get3A_18] : memref<128x128xf32, #tpu.memory_space<vmem>>, vector<128x128xf32>
    %dot_general3A = arith.constant dense<0.000000e+00> : vector<512x128xf32>
    %dot_general3A_20 = tpu.matmul %max3A_16, %get3A_19, %dot_general3A {dimension_numbers = #tpu.dot_dimension_numbers<[1], [0], [0], [1], [0, 0, 1, 1], [], []>, transpose_lhs_hint = false} : vector<512x128xf32>, vector<128x128xf32>, vector<512x128xf32> -> vector<512x128xf32>
    %get3A_21 = arith.constant 0 : index
    %get3A_22 = arith.constant 0 : index
    %get3A_23 = vector.load %arg4[%get3A_21, %get3A_22] : memref<1x128xf32, #tpu.memory_space<vmem>>, vector<1x128xf32>
    %add3A_24 = vector.broadcast %get3A_23 : vector<1x128xf32> to vector<512x128xf32>
    %add3A_25 = arith.addf %dot_general3A_20, %add3A_24 : vector<512x128xf32>
    %swap3A = arith.constant 0 : index
    %swap3A_26 = arith.constant 0 : index
    %swap3A_27 = vector.load %arg5[%swap3A, %swap3A_26] : memref<512x128xf32, #tpu.memory_space<vmem>>, vector<512x128xf32>
    tpu.vector_store %arg5[%swap3A, %swap3A_26], %add3A_25 {strides = array<i32>} : memref<512x128xf32, #tpu.memory_space<vmem>>, vector<512x128xf32>,
    return
  }
}

</mosaic_0001>

<sc_bundles>
// kernel: kernel.4.cloned.1.call-start
scs
__scs_entry_jumppad:
0x0: {  	(pc) =	sbr.rel $0x88, $3  }
0x1: {  	(tag) =	ssettag $0x0;
	lr =	simm.s32 $0x1  }
0x2: {  	[smem:$0x3F9C] =	sst lr;
	_ =	strace $0xD0000000  }
0x3: {  	_ = 	snop  }
0x4: {  	_ = 	snop  }
0x5: {  	_ = 	snop  }
0x6: {  	_ = 	snop  }
0x7: {  	_ = 	snop  }
__scs_overlays_trampoline_lowered:
0x8: {  	[smem:$0x3FAB] =	sst s0  }
0x9: {  	[smem:$0x3FAC] =	sst s1  }
0xa: {  	[smem:$0x3FAD] =	sst s2  }
0xb: {  	[smem:$0x3FAE] =	sst s3  }
0xc: {  	[smem:$0x3FAF] =	sst s4  }
0xd: {  	[smem:$0x3FB0] =	sst s5  }
0xe: {  	[smem:$0x3FB1] =	sst s6  }
0xf: {  	[smem:$0x3FB2] =	sst s7  }
0x10: {  	[smem:$0x3FB3] =	sst s8  }
0x11: {  	[smem:$0x3FB4] =	sst s9;
	s0 =	simm.s32 @!p0 $0x0  }
0x12: {  	s1 =	sld [smem:$0x3F9A];
	s0 =	simm.s32 @p0 $0x1  }
0x13: {  	[smem:$0x3FB5] =	sst s0;
	s0 =	simm.s32 @!p1 $0x0  }
0x14: {  	s2 =	sld [smem:$0x3F99];
	s0 =	simm.s32 @p1 $0x1  }
0x15: {  	[smem:$0x3FB6] =	sst s0;
	s0 =	simm.s32 @!p2 $0x0  }
0x16: {  	s3 =	sld [smem:$0x3FDB];
	s0 =	simm.s32 @p2 $0x1  }
0x17: {  	s4 =	simm.s32 $0x1BF5;
	[smem:$0x3FB8] =	sst s0  }
0x18: {  	s0 =	sld [smem:$0x3F9B];
	_ =	swait.ge [sflag:s4], $0x0  }
0x19: {  	s7 =	sld [smem:$0x3F9C]  }
0x1a: {  	s8 =	sadd.s32 $0xFFFFE003, lr  }
0x1b: {  	s9 =	sadd.s32 $0xFFFFFEF7, lr;
	s5 =	simm.s32 $0xFFFFFFFF;
	p2 =	slt.u32 s8, $0xFFFFF086  }
0x1c: {  	p1 =	slt.u32 s9, $0xF7A;
	s5 =	simm.s32 @!p2 $0x0  }
0x1d: {  	s5 =	simm.s32 @p1 $0x1;
	p0 =	seq.s32 s7, s2  }
0x1e: {  	s7 =	smul.u32 @!p0 $0xF7A, s2;
	p2 =	seq.s32 @!p0 s5, $0x0  }
0x1f: {  	s9 =	smul.u32 $0xF7A, s1;
	s8 =	simm.s32 @!p0 $0x1BF5;
	p2 =	por !p2, p0  }
0x20: {  	[sflag:s8] =	ssyncset.s32 @!p0 $0xFFFFF086;
	s6 =	sadd.s32 @!p0 s3, s7;
	s7 =	simm.s32 @!p0 $0x108  }
0x21: {  	s3 =	sadd.s32 s3, s9;
	s6 =	sadd.s32 @!p0 $0x88, s6;
	s7 =	simm.s32 @p2 $0x1082  }
0x22: {  	[simem:s7], [sflag:s8] =	dma.local @!p0 [hbm:s6], $0xF7A  }
0x23: {  	s9 =	sor.u32 $0xD0000000, s2;
	s6 =	simm.s32 $0x108;
	_ =	swait.ge @!p0 [sflag:s8], $0x0  }
0x24: {  	s3 =	sadd.s32 $0x88, s3;
	s6 =	simm.s32 @!p1 $0x1082;
	[sflag:s4] =	ssyncset.s32 $0xFFFFF086  }
0x25: {  	[simem:s6], [sflag:s4] =	dma.local [hbm:s3], $0xF7A  }
0x26: {  	[smem:$0x3F9C] =	sst s1;
	(tag) =	ssettag s2;
	_ =	strace s9  }
0x27: {  	s1 =	sld [smem:$0x3FAC]  }
0x28: {  	s2 =	sld [smem:$0x3FAD]  }
0x29: {  	s4 =	sld [smem:$0x3FAF]  }
0x2a: {  	p0 =	seq.s32 s5, $0x0;
	s5 =	sld [smem:$0x3FB0]  }
0x2b: {  	s6 =	sld [smem:$0x3FB1]  }
0x2c: {  	s7 =	sld [smem:$0x3FB2]  }
0x2d: {  	s3 =	simm.s32 $0x108;
	s8 =	sld [smem:$0x3FB3]  }
0x2e: {  	s3 =	simm.s32 @!p0 $0x1082;
	s9 =	sld [smem:$0x3FB4]  }
0x2f: {  	lr =	sadd.s32 s0, s3;
	s0 =	sld [smem:$0x3FAB]  }
0x30: {  	s3 =	sld [smem:$0x3FAE]  }
0x31: {  	[smem:$0x3FB7] =	sst s10  }
0x32: {  	s10 =	sld [smem:$0x3FB5];
	_ =	sdelay $0x3  }
0x33: {  	p0 =	seq.s32 s10, $0x1;
	s10 =	sld [smem:$0x3FB7];
	_ =	sdelay $0x3  }
0x34: {  	[smem:$0x3FB7] =	sst s10  }
0x35: {  	s10 =	sld [smem:$0x3FB6];
	_ =	sdelay $0x3  }
0x36: {  	p1 =	seq.s32 s10, $0x1;
	s10 =	sld [smem:$0x3FB7];
	_ =	sdelay $0x3  }
0x37: {  	[smem:$0x3FB7] =	sst s10  }
0x38: {  	s10 =	sld [smem:$0x3FB8]  }
0x39: {  	_ = 	snop;
	(pc) =	sbr.ind lr, $3  }
0x3a: {  	_ = 	snop  }
0x3b: {  	_ = 	snop  }
0x3c: {  	p2 =	seq.s32 s10, $0x1;
	s10 =	sld [smem:$0x3FB7]  }
0x3d: {  	_ =	shalt  }
0x3e: {  	_ =	shalt  }
0x3f: {  	_ =	shalt  }
0x40: {  	_ =	shalt  }
0x41: {  	_ =	shalt  }
0x42: {  	_ =	shalt  }
0x43: {  	_ =	shalt  }
0x44: {  	_ =	shalt  }
0x45: {  	_ =	shalt  }
0x46: {  	_ =	shalt  }
0x47: {  	_ =	shalt  }
0x48: {  	_ =	shalt  }
0x49: {  	_ =	shalt  }
0x4a: {  	_ =	shalt  }
0x4b: {  	_ =	shalt  }
0x4c: {  	_ =	shalt  }
0x4d: {  	_ =	shalt  }
0x4e: {  	_ =	shalt  }
0x4f: {  	_ =	shalt  }
0x50: {  	_ =	shalt  }
0x51: {  	_ =	shalt  }
0x52: {  	_ =	shalt  }
0x53: {  	_ =	shalt  }
0x54: {  	_ =	shalt  }
0x55: {  	_ =	shalt  }
0x56: {  	_ =	shalt  }
0x57: {  	_ =	shalt  }
0x58: {  	_ =	shalt  }
0x59: {  	_ =	shalt  }
0x5a: {  	_ =	shalt  }
0x5b: {  	_ =	shalt  }
0x5c: {  	_ =	shalt  }
0x5d: {  	_ =	shalt  }
0x5e: {  	_ =	shalt  }
0x5f: {  	_ =	shalt  }
0x60: {  	_ =	shalt  }
0x61: {  	_ =	shalt  }
0x62: {  	_ =	shalt  }
0x63: {  	_ =	shalt  }
0x64: {  	_ =	shalt  }
0x65: {  	_ =	shalt  }
0x66: {  	_ =	shalt  }
0x67: {  	_ =	shalt  }
0x68: {  	_ =	shalt  }
0x69: {  	_ =	shalt  }
0x6a: {  	_ =	shalt  }
0x6b: {  	_ =	shalt  }
0x6c: {  	_ =	shalt  }
0x6d: {  	_ =	shalt  }
0x6e: {  	_ =	shalt  }
0x6f: {  	_ =	shalt  }
0x70: {  	_ =	shalt  }
0x71: {  	_ =	shalt  }
0x72: {  	_ =	shalt  }
0x73: {  	_ =	shalt  }
0x74: {  	_ =	shalt  }
0x75: {  	_ =	shalt  }
0x76: {  	_ =	shalt  }
0x77: {  	_ =	shalt  }
0x78: {  	_ =	shalt  }
0x79: {  	_ =	shalt  }
0x7a: {  	_ =	shalt  }
0x7b: {  	_ =	shalt  }
0x7c: {  	_ =	shalt  }
0x7d: {  	_ =	shalt  }
0x7e: {  	_ =	shalt  }
0x7f: {  	_ =	shalt  }
0x80: {  	_ =	shalt  }
0x81: {  	_ =	shalt  }
0x82: {  	_ =	shalt  }
0x83: {  	_ =	shalt  }
0x84: {  	_ =	shalt  }
0x85: {  	_ =	shalt  }
0x86: {  	_ =	shalt  }
0x87: {  	_ =	shalt  }
.Lfunc_end0:
.L_simem_size_0:
called_computation_lowered:
.L_overlay_start_0:
0x88: {  	s0 =	sld [smem:$0x3FD9]  }
0x89: {  	s1 =	sld [smem:$0x3FFE];
	_ =	sdelay $0x3  }
0x8a: {  	s0 =	sadd.s32 s1, s0  }
0x8b: {  	[smem:$0x3FC3] =	sst s0  }
0x8c: {  	_ = 	snop  }
0x8d: {  	s0 =	sld [smem:$0x3FC9]  }
0x8e: {  	s17 =	sld [smem:$0x3FD0];
	(tm) =	ssettm $0x1  }
0x8f: {  	s2 =	sld [smem:$0x3FFB];
	_ =	sdelay $0x3  }
0x90: {  	_ =	strace s2  }
0x91: {  	s2 =	sld [smem:$0x3FFC];
	_ =	sdelay $0x3  }
0x92: {  	_ =	strace s2  }
0x93: {  	s2 =	sld [smem:$0x3FFD];
	_ =	sdelay $0x3  }
0x94: {  	_ =	strace s2  }
0x95: {  	_ =	strace $0x8FFFFFFF  }
0x96: {  	s18 =	sld [smem:$0x3FDB];
	_ =	sdelay $0x1  }
0x97: {  	s3 =	simm.s32 $_scs_section_size  }
0x98: {  	s4 =	simm.s32 $_size__tile_overlayer_lowered;
	s5 =	simm.s32 $_tile_overlayer_lowered  }
0x99: {  	s21 =	simm.s32 $0x1BFF;
	s20 =	sshll.u32 s5, $0x1;
	s2 =	sadd.s32 s3, s18  }
0x9a: {  	s6 =	simm.s32 $0x0;
	s19 =	sshll.u32 s4, $0x1;
	s4 =	sadd.s32 s20, s2  }
0x9b: {  	[timem:s6], [sflag:s21] =	dma.local [hbm:s4], s19  }
0x9c: {  	_ =	swait.ge [sflag:s21], s19  }
0x9d: {  	s3 =	ssub.s32 $0x0, s19;
	[sflag:s21] =	ssyncset.done $0x0  }
0x9e: {  	[sflag:s21] =	ssyncadd.s32 s3;
	_ =	sdelay $0x1  }
0x9f: {  	s22 =	simm.s32 $0x1B8B  }
0xa0: {  	_ =	swait.ge [sflag:s22], $0x1  }
0xa1: {  	[sflag:s22] =	ssyncset.done $0x0  }
0xa2: {  	s23 =	simm.s32 $0x1B8E;
	[sflag:s22] =	ssyncadd.s32 $0xFFFFFFFF  }
0xa3: {  	s24 =	simm.s32 $execute0_lowered;
	[smem:$0x3FD2] =	sst s23  }
0xa4: {  	s3 =	sshll.u32 s24, $0x1;
	_ =	strace $0x80000046;
	[dreg:$0x1] =	wrdreg $0xFFFFFFFF  }
0xa5: {  	s25 =	simm.s32 $_size_execute0_lowered;
	s2 =	sadd.s32 s2, s3;
	[dreg:$0x0] =	wrdreg $0x0  }
0xa6: {  	s3 =	sshll.u32 s25, $0x1;
	[dreg:$0x2] =	wrdreg s2  }
0xa7: {  	[dreg:$0x3] =	wrdreg s3  }
0xa8: {  	[dreg:$0x4] =	wrdreg $0xC0  }
0xa9: {  	_ =	task [dreg:s6], $0x5FFFF  }
0xaa: {  	[dreg:$0x1] =	wrdreg $0xFFFFFFFF  }
0xab: {  	[dreg:$0x0] =	wrdreg $0x60  }
0xac: {  	[dreg:$0x2] =	wrdreg s0  }
0xad: {  	[dreg:$0x3] =	wrdreg s17  }
0xae: {  	[dreg:$0x4] =	wrdreg $0x9  }
0xaf: {  	_ =	task.clear_ibuf [dreg:s6], $0x5FFFF;
	_ =	strace $0x90000046  }
0xb0: {  	s26 =	simm.s32 $0x9;
	_ =	strace $0x80000048  }
0xb1: {  	_ =	swait.ge [sflag:s26], $0x1  }
0xb2: {  	[sflag:s26] =	ssyncadd.s32 $0xFFFFFFFF  }
0xb3: {  	_ =	strace $0x90000048  }
0xb4: {  	_ =	sfence  }
0xb5: {  	s28 =	sld [smem:$0x0];
	_ =	sdelay $0x1  }
0xb6: {  	s29 =	srdreg.scid  }
0xb7: {  	s30 =	sshll.u32 s29, $0xD;
	s31 =	sshrl.u32 s29, $0x2  }
0xb8: {  	s1 =	sand.u32 $0x1, s29;
	s2 =	sand.u32 $0x4000, s30;
	s0 =	sadd.s32 s31, s28  }
0xb9: {  	s1 =	sor.u32 s2, s1;
	s0 =	sshll.u32 s0, $0x11  }
0xba: {  	s0 =	sor.u32 s0, s1  }
0xbb: {  	s0 =	sadd.s32 $0x8F2B, s0  }
0xbc: {  	[sflag:s0] =	ssyncadd.remote.s32 $0x1  }
0xbd: {  	_ =	sfence.sel $0xFFFF  }
0xbe: {  	[dreg:$0x0] =	wrdreg $0xFFFFFFFF;
	(pc) =	sbr.abs _section_cstart, $3  }
0xbf: {  	[dreg:$0x1] =	wrdreg $0xFFFFFFFF  }
0xc0: {  	_ =	task.clear_ibuf [dreg:s6], $0x2FFFF;
	_ =	strace $0x9FFFFFFF  }
0xc1: {  	(tm) =	ssettm $0x7FFFFFFF  }
tec
execute0_lowered:
.L_overlay_start_1:
0x0: {  	(tag) =	ssettag $0x1  }
0x1: {  	s2 =	rddreg [dreg:$0x0]  }
0x2: {  	s5 =	rddreg [dreg:$0x1]  }
0x3: {  	s0 =	rddreg [dreg:$0x2];
	s1 =	simm.s32 $0x0;
	s3 =	stileid.u32  }
0x4: {  	[smem:$0x7FF] =	sst s1;
	s1 =	smul.u32 $0x1870, s3  }
0x5: {  	p0 =	seq.s32 s3, $0xF;
	s6 =	sadd.s32 $0x2DD0, s2;
	s29 =	sshrl.u32 s3, $0x3  }
0x6: {  	s30 =	sshll.u32 s3, $0x7;
	_ =	strace $0x80000047;
	s7 =	simm.s32 @p0 $0x0  }
0x7: {  	p1 =	sne.s32 @!p0 s3, $0x0;
	s31 =	sand.u32 $0x380, s30;
	s4 =	sadd.s32 $0xFFFFFFF0, s1  }
0x8: {  	[tilespmem:s7], [sflag:$0x1] =	stream.linear.gather @p0 [hbm4b:s6+s7], $0x1820, $0x38;
	[tilespmem:$0x1D80] =	vst v63  }
0x9: {  	p2 =	por !p1, p0;
	s6 =	smul.u32 $0x2400, s29;
	s4 =	sshrl.u32 s4, $0x3  }
0xa: {  	p1 =	por p1, p0;
	s7 =	simm.s32 @!p2 $0x0;
	s4 =	sadd.s32 s2, s4  }
0xb: {  	v0 =	vimm.s32 @!p1 $0xFFFFFFFF;
	[tilespmem:s7], [sflag:$0x1] =	stream.linear.gather @!p2 [hbm4b:s4+s7], $0x1890, $0x38;
	[tilespmem:$0x1D80] =	vst v63  }
0xc: {  	s8 =	simm.s32 @!p1 $0x10;
	s7 =	simm.s32 @!p1 $0x0;
	s4 =	simm.s32 $0x1920;
	[tilespmem:$0x0] =	vst @!p1 v0  }
0xd: {  	v0 =	vimm.s32 $0x0;
	[tilespmem:s8], [sflag:$0x1] =	stream.linear.gather @!p1 [hbm4b:s2+s7], $0x1880, $0x38;
	[tilespmem:$0x1D80] =	vst v63  }
0xe: {  	p3 =	por @!p2 $0x1, $0x1;
	p4 =	por @!p1 $0x0, $0x0;
	s2 =	sor.u32 s31, s6;
	[tilespmem:s4+$0xFFFFFFE0] =	vst v0  }
0xf: {  	p4 =	por @!p2 p3, p3;
	p1 =	por @p0 $0x0, $0x0;
	s2 =	sshrl.u32 s2, $0x3;
	[tilespmem:s4+$0x10] =	vst v0  }
0x10: {  	p1 =	por @!p0 p4, p4;
	[tilespmem:s4+$0x0] =	vst v0;
	s2 =	sadd.s32 s5, s2;
	s5 =	simm.s32 $0x0  }
.LBB2_1:
0x11: {  	s5 =	sadd.s32 $0x4, s5  }
0x12: {  	[tilespmem:s4+$0xFFFFFFF0] =	vst v0;
	s4 =	sadd.s32 $0x40, s4;
	p0 =	slt.u32 s5, $0x3C  }
.Ltmp0:
0x13: {  	[tilespmem:s4+$0xFFFFFFE0] =	vst v0;
	(pc) =	sbr.rel @p0 .LBB2_1-.Ltmp0, $3  }
0x14: {  	_ =	sdelay $0x1  }
0x15: {  	[tilespmem:s4+$0x10] =	vst v0  }
0x16: {  	[tilespmem:s4+$0x0] =	vst v0  }
0x17: {  	[tilespmem:s4+$0xFFFFFFF0] =	vst v0;
	s4 =	simm.s32 $0x0;
	v0 =	vimm.s32 $0x0  }
.LBB2_3:
0x18: {  	p0 =	sne.s32 s4, $0x40  }
.Ltmp1:
0x19: {  	_ = 	snop;
	(pc) =	sbr.rel @p0 .LBB2_3-.Ltmp1, $3  }
0x1a: {  	_ =	sdelay $0x1  }
0x1b: {  	s5 =	sshra.s32 s4, $0x2  }
0x1c: {  	s4 =	sadd.s32 $0x40, s4;
	[tilespmem:s5+$0x1D00] =	vst v0  }
0x1d: {  	p0 =	sne.s32 s3, $0x0  }
0x1e: {  	s4 =	simm.s32 @!p0 $0x1  }
0x1f: {  	p2 =	sne.s32 s3, $0xF;
	_ =	swait.ge @!p0 [sflag:s4], $0x1880  }
.Ltmp2:
0x20: {  	[sflag:s4] =	ssyncset.done @!p0 $0x0;
	(pc) =	sbr.rel @p2 .LBB2_7-.Ltmp2, $4  }
0x21: {  	[sflag:s4] =	ssyncadd.s32 @!p0 $0xFFFFE780;
	s4 =	simm.s32 @p1 $0x1  }
0x22: {  	_ =	swait.ge @p1 [sflag:s4], $0x1890  }
0x23: {  	[sflag:s4] =	ssyncset.done @p1 $0x0  }
0x24: {  	[sflag:s4] =	ssyncadd.s32 @p1 $0xFFFFE770  }
0x25: {  	s3 =	simm.s32 $0x1  }
0x26: {  	_ =	swait.ge [sflag:s3], $0x1820  }
0x27: {  	[sflag:s3] =	ssyncset.done $0x0  }
0x28: {  	v0 =	vimm.s32 $0x200;
	[sflag:s3] =	ssyncadd.s32 $0xFFFFE7E0  }
0x29: {  	[tilespmem:$0x1820] =	vst v0  }
0x2a: {  	[tilespmem:$0x1830] =	vst v0  }
0x2b: {  	[tilespmem:$0x1840] =	vst v0  }
0x2c: {  	s3 =	simm.s32 $0x0;
	[tilespmem:$0x1850] =	vst v0  }
.LBB2_6:
0x2d: {  	p1 =	sne.s32 s3, $0x80  }
.Ltmp3:
0x2e: {  	_ = 	snop;
	(pc) =	sbr.rel @p1 .LBB2_6-.Ltmp3, $3  }
0x2f: {  	_ =	sdelay $0x1  }
0x30: {  	s4 =	sshra.s32 s3, $0x2  }
0x31: {  	s3 =	sadd.s32 $0x40, s3;
	[tilespmem:s4+$0x1860] =	vst v0  }
.LBB2_7:
0x32: {  	s6 =	simm.s32 $0x21  }
0x33: {  	v5 =	vld [tilespmem:s6+$0x1F]  }
0x34: {  	v6 =	vld [tilespmem:s6+$0x1E]  }
0x35: {  	v8 =	vld [tilespmem:s6+$0x20]  }
0x36: {  	v7 =	vld [tilespmem:s6+$0xFFFFFFEE]  }
0x37: {  	v4 =	vld [tilespmem:s6+$0xFFFFFFF0]  }
0x38: {  	v2 =	vld [tilespmem:s6+$0xFFFFFFFF]  }
0x39: {  	v13 =	vld [tilespmem:s6+$0xFFFFFFFE];
	vm2 =	vne.s32 v5, v6  }
0x3a: {  	v11 =	vld [tilespmem:s6+$0x0];
	vm0 =	vne.s32 v5, v8  }
0x3b: {  	v3 =	vld [tilespmem:s6+$0xF];
	v9 =	vadd.s32 $0x210, v5  }
0x3c: {  	v0 =	vlaneseq.u32;
	v10 =	vld [tilespmem:s6+$0xE]  }
0x3d: {  	s4 =	sadd.s32 $0x30, s1;
	s3 =	simm.s32 $0x1900;
	s5 =	simm.s32 $0x0;
	v1 =	vadd.s32 $0x1, v0;
	v12 =	vld [tilespmem:s6+$0x10]  }
0x3e: {  	s7 =	sadd.s32 $0xFFFFFFD0, s4;
	s8 =	sadd.s32 $0xFFFFFFE0, s4;
	v8 =	vadd.s32 $0x210, v2;
	v6 =	vld [tilespmem:s6+$0xFFFFFFEF];
	vm1 =	vne.s32 v2, v13;
	v13 =	vor.u32 s4, v0;
	s6 =	simm.s32 $0x61  }
.LBB2_8:
0x3f: {  	v14 =	vor.u32 s7, v0;
	vm3 =	vne.s32 v2, v11;
	s9 =	sadd.s32 $0xFFFFFFF0, s4;
	[tilespmem:v5+s3+$0x0] =	vst.idx.msk vm2, v13;
	v5 =	vld [tilespmem:s6+$0x1F];
	v11 =	vadd.s32 s4, v1  }
0x40: {  	v15 =	vadd.s32 s7, v1;
	v16 =	vor.u32 s8, v0;
	v13 =	vld [tilespmem:s6+$0x1E];
	v17 =	vadd.s32 $0x210, v3;
	[tilespmem:v9+s3+$0x0] =	vst.idx.msk vm0, v11  }
0x41: {  	s5 =	sadd.s32 $0x4, s5;
	v11 =	vadd.s32 s8, v1;
	v18 =	vor.u32 s9, v0;
	v9 =	vld [tilespmem:s6+$0x20];
	vm4 =	vne.s32 v3, v10  }
0x42: {  	p1 =	slt.u32 s5, $0x180;
	v19 =	vadd.s32 s9, v1;
	v10 =	vld [tilespmem:s6+$0xFFFFFFEE];
	vm5 =	vne.s32 v3, v12  }
0x43: {  	vm6 =	vne.s32 v6, v7;
	v20 =	vadd.s32 $0x210, v6;
	vm7 =	vne.s32 v6, v4;
	v4 =	vld [tilespmem:s6+$0xFFFFFFF0]  }
0x44: {  	[tilespmem:v2+s3+$0x0] =	vst.idx.msk vm1, v16;
	v2 =	vld [tilespmem:s6+$0xFFFFFFFF]  }
0x45: {  	v16 =	vld [tilespmem:s6+$0xFFFFFFFE];
	vm2 =	vne.s32 v5, v13;
	[tilespmem:v8+s3+$0x0] =	vst.idx.msk vm3, v11  }
.Ltmp4:
0x46: {  	v11 =	vld [tilespmem:s6+$0x0];
	vm0 =	vne.s32 v5, v9;
	(pc) =	sbr.rel @p1 .LBB2_8-.Ltmp4, $4  }
0x47: {  	v9 =	vadd.s32 $0x210, v5;
	[tilespmem:v3+s3+$0x0] =	vst.idx.msk vm4, v18;
	v3 =	vld [tilespmem:s6+$0xF];
	v7 =	vmov v10  }
0x48: {  	v10 =	vld [tilespmem:s6+$0xE];
	[tilespmem:v17+s3+$0x0] =	vst.idx.msk vm5, v19  }
0x49: {  	s4 =	sadd.s32 $0x40, s4;
	v8 =	vadd.s32 $0x210, v2;
	v12 =	vld [tilespmem:s6+$0x10];
	[tilespmem:v6+s3+$0x0] =	vst.idx.msk vm6, v14  }
0x4a: {  	s7 =	sadd.s32 $0xFFFFFFD0, s4;
	s8 =	sadd.s32 $0xFFFFFFE0, s4;
	v13 =	vor.u32 s4, v0;
	v6 =	vld [tilespmem:s6+$0xFFFFFFEF];
	vm1 =	vne.s32 v2, v16;
	s6 =	sadd.s32 $0x40, s6;
	[tilespmem:v20+s3+$0x0] =	vst.idx.msk vm7, v15  }
0x4b: {  	_ =	sdelay $0x1  }
0x4c: {  	vm3 =	vne.s32 v2, v11  }
0x4d: {  	vm4 =	vne.s32 v3, v10  }
0x4e: {  	vm5 =	vne.s32 v3, v12  }
0x4f: {  	[tilespmem:v5+s3+$0x0] =	vst.idx.msk vm2, v13;
	v58 =	vadd.s32 s4, v1;
	v59 =	vadd.s32 $0x210, v3;
	vm14 =	vne.s32 v6, v7  }
0x50: {  	v60 =	vor.u32 s8, v0;
	[tilespmem:v9+s3+$0x0] =	vst.idx.msk vm0, v58;
	vm15 =	vne.s32 v6, v4  }
0x51: {  	s31 =	sadd.s32 $0xFFFFFFF0, s4;
	v61 =	vadd.s32 s8, v1;
	[tilespmem:v2+s3+$0x0] =	vst.idx.msk vm1, v60;
	v62 =	vadd.s32 $0x210, v6  }
0x52: {  	v2 =	vor.u32 s31, v0;
	[tilespmem:v8+s3+$0x0] =	vst.idx.msk vm3, v61  }
0x53: {  	v63 =	vadd.s32 s31, v1;
	[tilespmem:v3+s3+$0x0] =	vst.idx.msk vm4, v2  }
0x54: {  	v0 =	vor.u32 s7, v0;
	[tilespmem:v59+s3+$0x0] =	vst.idx.msk vm5, v63  }
0x55: {  	s1 =	sadd.s32 $0x1840, s1;
	v1 =	vadd.s32 s7, v1;
	[tilespmem:v6+s3+$0x0] =	vst.idx.msk vm14, v0;
	v0 =	vlaneseq.u32  }
0x56: {  	s4 =	simm.s32 $0x1851;
	s5 =	simm.s32 $0x1900;
	[tilespmem:v62+s3+$0x0] =	vst.idx.msk vm15, v1;
	s3 =	simm.s32 $0x0;
	v1 =	vadd.s32 $0x1, v0  }
.LBB2_10:
0x57: {  	v2 =	vld [tilespmem:s4+$0xFFFFFFFF]  }
0x58: {  	v3 =	vld [tilespmem:s4+$0xFFFFFFFE]  }
0x59: {  	v4 =	vld [tilespmem:s4+$0x0];
	_ =	sdelay $0x3  }
0x5a: {  	vm0 =	vne.s32 v2, v3  }
0x5b: {  	vm1 =	vne.s32 v2, v4  }
0x5c: {  	p1 =	sne.s32 s3, $0x20;
	v3 =	vadd.s32 $0x210, v2  }
.Ltmp5:
0x5d: {  	_ = 	snop;
	(pc) =	sbr.rel @p1 .LBB2_10-.Ltmp5, $4  }
0x5e: {  	s6 =	sadd.s32 s3, s1  }
0x5f: {  	v63 =	vor.u32 s6, v0  }
0x60: {  	[tilespmem:v2+s5+$0x0] =	vst.idx.msk vm0, v63;
	v2 =	vadd.s32 s6, v1  }
0x61: {  	s4 =	sadd.s32 $0x10, s4;
	s3 =	sadd.s32 $0x10, s3;
	[tilespmem:v3+s5+$0x0] =	vst.idx.msk vm1, v2  }
0x62: {  	s1 =	simm.s32 $0x80  }
0x63: {  	s3 =	simm.s32 $0x400;
	s4 =	simm.s32 $0x1900;
	s31 =	simm.s32 $0x2  }
0x64: {  	[hbm4b:s2+s1] =	stream.strided.scatter [tilespmem:s4], [sflag:$0x2], $0x480, s3, s1, $0x38;
	[tilespmem:$0x1D80] =	vst v63  }
0x65: {  	_ =	swait.ge [sflag:s31], $0x480  }
0x66: {  	[sflag:s31] =	ssyncset.done $0x0  }
0x67: {  	[sflag:s31] =	ssyncadd.s32 $0xFFFFFB80  }
0x68: {  	_ =	sfence.sel $0x180000  }
0x69: {  	[bflag:$0x0] =	sbarrier.arrive $0xFFFF  }
0x6a: {  	_ =	strace $0x90000047  }
0x6b: {  	s0 =	sadd.s32 @!p0 $0x100000, s0;
	[bflag:$0x2] =	sbarrier.arrive $0xFFFF  }
0x6c: {  	[sflag:s0] =	ssyncadd.tile.s32 @!p0 $0x1;
	_ =	shalt  }
.Lfunc_end2:
_tile_overlayer_lowered:
.L_overlay_start_2:
0x6d: {  	(tag) =	ssettag $0x2  }
0x6e: {  	s0 =	rddreg [dreg:$0x0];
	s2 =	stileid.u32  }
0x6f: {  	s1 =	rddreg [dreg:$0x1];
	p0 =	sne.s32 s2, $0x0  }
0x70: {  	s3 =	rddreg [dreg:$0x2];
	[bflag:$0x3] =	sbarrier.arrive $0xFFFF;
	s2 =	simm.s32 @!p0 $0x1C02  }
0x71: {  	[timem:s3], [sflag:s2] =	dma.local @!p0 [hbm:s0], s1  }
0x72: {  	s0 =	simm.s32 @!p0 $0x2  }
0x73: {  	_ =	swait.ge @!p0 [sflag:s0], s1  }
0x74: {  	s1 =	ssub.s32 @!p0 $0x0, s1;
	[sflag:s0] =	ssyncset.done @!p0 $0x0  }
0x75: {  	[sflag:s0] =	ssyncadd.s32 @!p0 s1  }
0x76: {  	[bflag:$0x3] =	sbarrier.arrive $0xFFFF  }
0x77: {  	_ =	shalt  }

</sc_bundles>
